<compile_context>
chip_gen: v7x
topology: tpu7x:2x2x1
jax: 0.10.2.dev20260603
libtpu: 0.0.44.dev20260713+nightly
codegen_flags: <defaults>
</compile_context>

<pallas_src>
import functools

import jax
import jax.numpy as jnp
from jax import lax
from jax.experimental import pallas as pl
from jax.experimental.pallas import tpu as pltpu
from jax.experimental.pallas import tpu_sc as plsc

B = 16384
D = 128
NC = 2
NS = 16
NW = NC * NS
ROWS_PER_W = B // NW

BM = 4096


def _gather_body(user_table, item_table, uid, iid, x_out,
                 idx_u, idx_i, rows, sem):
    wid = lax.axis_index("s") * NC + lax.axis_index("c")
    rbase = wid * ROWS_PER_W
    pltpu.sync_copy(uid.at[pl.ds(rbase, ROWS_PER_W)], idx_u)
    pltpu.sync_copy(iid.at[pl.ds(rbase, ROWS_PER_W)], idx_i)
    pltpu.async_copy(user_table.at[idx_u], rows, sem).wait()
    pltpu.sync_copy(rows, x_out.at[pl.ds(rbase, ROWS_PER_W), pl.ds(0, D)])
    pltpu.async_copy(item_table.at[idx_i], rows, sem).wait()
    pltpu.sync_copy(rows, x_out.at[pl.ds(rbase, ROWS_PER_W), pl.ds(D, D)])


@functools.cache
def _sc_gather():
    return pl.kernel(
        _gather_body,
        out_type=jax.ShapeDtypeStruct((B, 2 * D), jnp.float32),
        mesh=plsc.VectorSubcoreMesh(core_axis_name="c", subcore_axis_name="s"),
        scratch_types=[
            pltpu.VMEM((ROWS_PER_W,), jnp.int32),
            pltpu.VMEM((ROWS_PER_W,), jnp.int32),
            pltpu.VMEM((ROWS_PER_W, D), jnp.float32),
            pltpu.SemaphoreType.DMA,
        ],
    )


def _mlp_body(x_ref, w1_ref, b1_ref, w2_ref, b2_ref,
              w3_ref, b3_ref, out_ref):
    h1 = jnp.dot(x_ref[...], w1_ref[...], preferred_element_type=jnp.float32)
    h1 = jnp.maximum(h1 + b1_ref[...].reshape(1, 128), 0.0)
    h2 = jnp.dot(h1, w2_ref[...], preferred_element_type=jnp.float32)
    h2 = jnp.maximum(h2 + b2_ref[...].reshape(1, 64), 0.0)
    r = lax.dot_general(w3_ref[...], h2, (((0,), (1,)), ((), ())),
                        preferred_element_type=jnp.float32) + b3_ref[0]
    out_ref[...] = r.reshape(1, 1, r.shape[-1])


def _mlp(x, W1, b1, W2, b2, W3, b3):
    return pl.pallas_call(
        _mlp_body,
        grid=(B // BM,),
        in_specs=[
            pl.BlockSpec((BM, 2 * D), lambda i: (i, 0)),
            pl.BlockSpec((2 * D, 128), lambda i: (0, 0)),
            pl.BlockSpec((128,), lambda i: (0,)),
            pl.BlockSpec((128, 64), lambda i: (0, 0)),
            pl.BlockSpec((64,), lambda i: (0,)),
            pl.BlockSpec((64, 1), lambda i: (0, 0)),
            pl.BlockSpec((1,), lambda i: (0,)),
        ],
        out_specs=pl.BlockSpec((1, 1, BM), lambda i: (i, 0, 0)),
        out_shape=jax.ShapeDtypeStruct((B // BM, 1, BM), jnp.float32),
    )(x, W1, b1, W2, b2, W3, b3)


def kernel(user_id, item_id, user_table, item_table, W1, b1, W2, b2, W3, b3):
    x = _sc_gather()(user_table, item_table, user_id, item_id)
    out = _mlp(x, W1, b1, W2, b2, W3, b3)
    return out.reshape(B)

# --- scband reference (transcript-rebuilt; emitter-appended) ---
"""Pipeline reference for scband-mlp-17051020165207 (READ-ONLY COPY).

The authoritative reference and input builder live on the scoring server;
editing this copy changes nothing except your own understanding.
"""

import jax, jax.numpy as jnp
import numpy as np

USER_NUM = 100000
ITEM_NUM = 100000
BATCH = 16384
EMB = 128


def setup_inputs(seed: int = 0) -> dict:
    key = jax.random.key(seed)
    ks = jax.random.split(key, 10)
    user_id = jax.random.randint(ks[0], (BATCH,), 0, USER_NUM)
    item_id = jax.random.randint(ks[1], (BATCH,), 0, ITEM_NUM)
    user_table = jax.random.normal(ks[2], (USER_NUM, EMB), dtype=jnp.float32) * 0.02
    item_table = jax.random.normal(ks[3], (ITEM_NUM, EMB), dtype=jnp.float32) * 0.02
    W1 = jax.random.normal(ks[4], (2 * EMB, 128), dtype=jnp.float32) * 0.05
    b1 = jnp.zeros((128,), dtype=jnp.float32)
    W2 = jax.random.normal(ks[5], (128, 64), dtype=jnp.float32) * 0.05
    b2 = jnp.zeros((64,), dtype=jnp.float32)
    W3 = jax.random.normal(ks[6], (64, 1), dtype=jnp.float32) * 0.05
    b3 = jnp.zeros((1,), dtype=jnp.float32)
    return {
        "user_id": user_id,
        "item_id": item_id,
        "user_table": user_table,
        "item_table": item_table,
        "W1": W1, "b1": b1,
        "W2": W2, "b2": b2,
        "W3": W3, "b3": b3,
    }


def reference(user_id, item_id, user_table, item_table, W1, b1, W2, b2, W3, b3):
    user_emb = jnp.take(user_table, user_id, axis=0)
    item_emb = jnp.take(item_table, item_id, axis=0)
    x = jnp.concatenate([user_emb, item_emb], axis=1)
    x = jax.nn.relu(x @ W1 + b1)
    x = jax.nn.relu(x @ W2 + b2)
    x = x @ W3 + b3
    return jnp.squeeze(x, axis=-1)

if __name__ == "__main__":
    import jax
    _d = setup_inputs()
    print(jax.jit(kernel)(*tuple(_d.values())))

</pallas_src>

<mosaic_0001>
#map = affine_map<(d0, d1) -> (0, 0)>
#map1 = affine_map<(d0, d1) -> (0)>
module attributes {stable_mosaic.version = 14 : i64} {
  func.func @_gather_body(%arg0: i32, %arg1: i32, %arg2: memref<100000x128xf32, #tpu.memory_space<hbm>>, %arg3: memref<100000x128xf32, #tpu.memory_space<hbm>>, %arg4: memref<16384xi32, #tpu.memory_space<hbm>>, %arg5: memref<16384xi32, #tpu.memory_space<hbm>>, %arg6: memref<16384x256xf32, #tpu.memory_space<hbm>>, %arg7: memref<512xi32, #tpu.memory_space<vmem>>, %arg8: memref<512xi32, #tpu.memory_space<vmem>>, %arg9: memref<512x128xf32, #tpu.memory_space<vmem>>, %arg10: memref<!tpu.dma_semaphore, #tpu.memory_space<semaphore_mem>>) attributes {dimension_semantics = [#tpu.dimension_semantics<core_parallel>, #tpu.dimension_semantics<subcore_parallel>], iteration_bounds = array<i64: 2, 16>, scalar_prefetch = 0 : i64, scratch_operands = 4 : i64, tpu.core_type = #tpu.core_type<sc_vector_subcore>, window_params = [{transform_indices = #map}, {transform_indices = #map}, {transform_indices = #map1}, {transform_indices = #map1}, {transform_indices = #map}]} {
    %mul3A = arith.constant 2 : i32
    %mul3A_0 = arith.muli %arg1, %mul3A : i32
    %add3A = arith.addi %mul3A_0, %arg0 : i32
    %mul3A_1 = arith.constant 512 : i32
    %mul3A_2 = arith.muli %add3A, %mul3A_1 : i32
    "tpu.region"() ({
      %run_scoped3A = tpu.sem_alloc : memref<!tpu.dma_semaphore, #tpu.memory_space<semaphore_mem>>
      %dma_start3A_13 = tpu.memref_slice %arg4[%mul3A_2] : memref<16384xi32, #tpu.memory_space<hbm>> -> memref<512xi32, #tpu.memory_space<hbm>>
      %dma_start3A_14 = tpu.memref_slice %arg4[%mul3A_2] : memref<16384xi32, #tpu.memory_space<hbm>> -> memref<512xi32, #tpu.memory_space<hbm>>
      tpu.enqueue_dma source(%dma_start3A_14 : memref<512xi32, #tpu.memory_space<hbm>>) target(%arg7 : memref<512xi32, #tpu.memory_space<vmem>>) target_semaphore(%run_scoped3A : memref<!tpu.dma_semaphore, #tpu.memory_space<semaphore_mem>>)
      %dma_wait3A_15 = tpu.memref_slice %arg4[%mul3A_2] : memref<16384xi32, #tpu.memory_space<hbm>> -> memref<512xi32, #tpu.memory_space<hbm>>
      %dma_wait3A_16 = tpu.memref_slice %arg4[%mul3A_2] : memref<16384xi32, #tpu.memory_space<hbm>> -> memref<512xi32, #tpu.memory_space<hbm>>
      tpu.wait_dma2 semaphore(%run_scoped3A : memref<!tpu.dma_semaphore, #tpu.memory_space<semaphore_mem>>) src(%dma_wait3A_16 : memref<512xi32, #tpu.memory_space<hbm>>) dst(%arg7 : memref<512xi32, #tpu.memory_space<vmem>>)
      tpu.yield
    }) : () -> ()
    "tpu.region"() ({
      %run_scoped3A = tpu.sem_alloc : memref<!tpu.dma_semaphore, #tpu.memory_space<semaphore_mem>>
      %dma_start3A_13 = tpu.memref_slice %arg5[%mul3A_2] : memref<16384xi32, #tpu.memory_space<hbm>> -> memref<512xi32, #tpu.memory_space<hbm>>
      %dma_start3A_14 = tpu.memref_slice %arg5[%mul3A_2] : memref<16384xi32, #tpu.memory_space<hbm>> -> memref<512xi32, #tpu.memory_space<hbm>>
      tpu.enqueue_dma source(%dma_start3A_14 : memref<512xi32, #tpu.memory_space<hbm>>) target(%arg8 : memref<512xi32, #tpu.memory_space<vmem>>) target_semaphore(%run_scoped3A : memref<!tpu.dma_semaphore, #tpu.memory_space<semaphore_mem>>)
      %dma_wait3A_15 = tpu.memref_slice %arg5[%mul3A_2] : memref<16384xi32, #tpu.memory_space<hbm>> -> memref<512xi32, #tpu.memory_space<hbm>>
      %dma_wait3A_16 = tpu.memref_slice %arg5[%mul3A_2] : memref<16384xi32, #tpu.memory_space<hbm>> -> memref<512xi32, #tpu.memory_space<hbm>>
      tpu.wait_dma2 semaphore(%run_scoped3A : memref<!tpu.dma_semaphore, #tpu.memory_space<semaphore_mem>>) src(%dma_wait3A_16 : memref<512xi32, #tpu.memory_space<hbm>>) dst(%arg8 : memref<512xi32, #tpu.memory_space<vmem>>)
      tpu.yield
    }) : () -> ()
    %dma_start3A = arith.constant 0 : i32
    %dma_start3A_3 = arith.constant 0 : i32
    %dma_start3A_4 = tpu.memref_slice %arg2[%dma_start3A, %dma_start3A_3] : memref<100000x128xf32, #tpu.memory_space<hbm>> -> memref<100000x128xf32, #tpu.memory_space<hbm>>
    tpu.enqueue_indirect_dma source(%dma_start3A_4 : memref<100000x128xf32, #tpu.memory_space<hbm>>) target(%arg9 : memref<512x128xf32, #tpu.memory_space<vmem>>) offsets(%arg7 : memref<512xi32, #tpu.memory_space<vmem>>) semaphore(%arg10 : memref<!tpu.dma_semaphore, #tpu.memory_space<semaphore_mem>>)
    %dma_wait3A = arith.constant 0 : i32
    %dma_wait3A_5 = arith.constant 0 : i32
    %dma_wait3A_6 = tpu.memref_slice %arg2[%dma_wait3A, %dma_wait3A_5] : memref<100000x128xf32, #tpu.memory_space<hbm>> -> memref<100000x128xf32, #tpu.memory_space<hbm>>
    tpu.wait_indirect_dma semaphore(%arg10 : memref<!tpu.dma_semaphore, #tpu.memory_space<semaphore_mem>>) src(%dma_wait3A_6 : memref<100000x128xf32, #tpu.memory_space<hbm>>) dst(%arg9 : memref<512x128xf32, #tpu.memory_space<vmem>>)
    "tpu.region"() ({
      %run_scoped3A = tpu.sem_alloc : memref<!tpu.dma_semaphore, #tpu.memory_space<semaphore_mem>>
      %dma_start3A_13 = arith.constant 0 : i32
      %dma_start3A_14 = tpu.memref_slice %arg6[%mul3A_2, %dma_start3A_13] : memref<16384x256xf32, #tpu.memory_space<hbm>> -> memref<512x128xf32, #tpu.memory_space<hbm>>
      %dma_start3A_15 = arith.constant 0 : i32
      %dma_start3A_16 = tpu.memref_slice %arg6[%mul3A_2, %dma_start3A_15] : memref<16384x256xf32, #tpu.memory_space<hbm>> -> memref<512x128xf32, #tpu.memory_space<hbm>>
      tpu.enqueue_dma source(%arg9 : memref<512x128xf32, #tpu.memory_space<vmem>>) target(%dma_start3A_16 : memref<512x128xf32, #tpu.memory_space<hbm>>) target_semaphore(%run_scoped3A : memref<!tpu.dma_semaphore, #tpu.memory_space<semaphore_mem>>)
      %dma_wait3A_17 = arith.constant 0 : i32
      %dma_wait3A_18 = tpu.memref_slice %arg6[%mul3A_2, %dma_wait3A_17] : memref<16384x256xf32, #tpu.memory_space<hbm>> -> memref<512x128xf32, #tpu.memory_space<hbm>>
      %dma_wait3A_19 = arith.constant 0 : i32
      %dma_wait3A_20 = tpu.memref_slice %arg6[%mul3A_2, %dma_wait3A_19] : memref<16384x256xf32, #tpu.memory_space<hbm>> -> memref<512x128xf32, #tpu.memory_space<hbm>>
      tpu.wait_dma2 semaphore(%run_scoped3A : memref<!tpu.dma_semaphore, #tpu.memory_space<semaphore_mem>>) src(%arg9 : memref<512x128xf32, #tpu.memory_space<vmem>>) dst(%dma_wait3A_20 : memref<512x128xf32, #tpu.memory_space<hbm>>)
      tpu.yield
    }) : () -> ()
    %dma_start3A_7 = arith.constant 0 : i32
    %dma_start3A_8 = arith.constant 0 : i32
    %dma_start3A_9 = tpu.memref_slice %arg3[%dma_start3A_7, %dma_start3A_8] : memref<100000x128xf32, #tpu.memory_space<hbm>> -> memref<100000x128xf32, #tpu.memory_space<hbm>>
    tpu.enqueue_indirect_dma source(%dma_start3A_9 : memref<100000x128xf32, #tpu.memory_space<hbm>>) target(%arg9 : memref<512x128xf32, #tpu.memory_space<vmem>>) offsets(%arg8 : memref<512xi32, #tpu.memory_space<vmem>>) semaphore(%arg10 : memref<!tpu.dma_semaphore, #tpu.memory_space<semaphore_mem>>)
    %dma_wait3A_10 = arith.constant 0 : i32
    %dma_wait3A_11 = arith.constant 0 : i32
    %dma_wait3A_12 = tpu.memref_slice %arg3[%dma_wait3A_10, %dma_wait3A_11] : memref<100000x128xf32, #tpu.memory_space<hbm>> -> memref<100000x128xf32, #tpu.memory_space<hbm>>
    tpu.wait_indirect_dma semaphore(%arg10 : memref<!tpu.dma_semaphore, #tpu.memory_space<semaphore_mem>>) src(%dma_wait3A_12 : memref<100000x128xf32, #tpu.memory_space<hbm>>) dst(%arg9 : memref<512x128xf32, #tpu.memory_space<vmem>>)
    "tpu.region"() ({
      %run_scoped3A = tpu.sem_alloc : memref<!tpu.dma_semaphore, #tpu.memory_space<semaphore_mem>>
      %dma_start3A_13 = arith.constant 128 : i32
      %dma_start3A_14 = tpu.memref_slice %arg6[%mul3A_2, %dma_start3A_13] : memref<16384x256xf32, #tpu.memory_space<hbm>> -> memref<512x128xf32, #tpu.memory_space<hbm>>
      %dma_start3A_15 = arith.constant 128 : i32
      %dma_start3A_16 = tpu.memref_slice %arg6[%mul3A_2, %dma_start3A_15] : memref<16384x256xf32, #tpu.memory_space<hbm>> -> memref<512x128xf32, #tpu.memory_space<hbm>>
      tpu.enqueue_dma source(%arg9 : memref<512x128xf32, #tpu.memory_space<vmem>>) target(%dma_start3A_16 : memref<512x128xf32, #tpu.memory_space<hbm>>) target_semaphore(%run_scoped3A : memref<!tpu.dma_semaphore, #tpu.memory_space<semaphore_mem>>)
      %dma_wait3A_17 = arith.constant 128 : i32
      %dma_wait3A_18 = tpu.memref_slice %arg6[%mul3A_2, %dma_wait3A_17] : memref<16384x256xf32, #tpu.memory_space<hbm>> -> memref<512x128xf32, #tpu.memory_space<hbm>>
      %dma_wait3A_19 = arith.constant 128 : i32
      %dma_wait3A_20 = tpu.memref_slice %arg6[%mul3A_2, %dma_wait3A_19] : memref<16384x256xf32, #tpu.memory_space<hbm>> -> memref<512x128xf32, #tpu.memory_space<hbm>>
      tpu.wait_dma2 semaphore(%run_scoped3A : memref<!tpu.dma_semaphore, #tpu.memory_space<semaphore_mem>>) src(%arg9 : memref<512x128xf32, #tpu.memory_space<vmem>>) dst(%dma_wait3A_20 : memref<512x128xf32, #tpu.memory_space<hbm>>)
      tpu.yield
    }) : () -> ()
    return
  }
}

module attributes {stable_mosaic.version = 14 : i64} {
  func.func @_mlp_body(%arg0: i32, %arg1: memref<4096x256xf32, #tpu.memory_space<vmem>>, %arg2: memref<256x128xf32, #tpu.memory_space<vmem>>, %arg3: memref<128xf32, #tpu.memory_space<vmem>>, %arg4: memref<128x64xf32, #tpu.memory_space<vmem>>, %arg5: memref<64xf32, #tpu.memory_space<vmem>>, %arg6: memref<64x1xf32, #tpu.memory_space<vmem>>, %arg7: memref<1xf32, #tpu.memory_space<vmem>>, %arg8: memref<1x1x4096xf32, #tpu.memory_space<vmem>>) attributes {dimension_semantics = [#tpu.dimension_semantics<arbitrary>], iteration_bounds = array<i64: 4>, scalar_prefetch = 0 : i64, scratch_operands = 0 : i64, tpu.core_type = #tpu.core_type<tc>, window_params = [{transform_indices = @transform_0, window_bounds = array<i64: 4096, 256>}, {pipeline_mode = #tpu.pipeline_mode<synchronous>, transform_indices = @transform_1, window_bounds = array<i64: 256, 128>}, {pipeline_mode = #tpu.pipeline_mode<synchronous>, transform_indices = @transform_2, window_bounds = array<i64: 128>}, {pipeline_mode = #tpu.pipeline_mode<synchronous>, transform_indices = @transform_3, window_bounds = array<i64: 128, 64>}, {pipeline_mode = #tpu.pipeline_mode<synchronous>, transform_indices = @transform_4, window_bounds = array<i64: 64>}, {pipeline_mode = #tpu.pipeline_mode<synchronous>, transform_indices = @transform_5, window_bounds = array<i64: 64, 1>}, {pipeline_mode = #tpu.pipeline_mode<synchronous>, transform_indices = @transform_6, window_bounds = array<i64: 1>}, {transform_indices = @transform_7, window_bounds = array<i64: 1, 1, 4096>}]} {
    %get3A = arith.constant 0 : index
    %get3A_0 = arith.constant 0 : index
    %get3A_1 = vector.load %arg1[%get3A, %get3A_0] : memref<4096x256xf32, #tpu.memory_space<vmem>>, vector<4096x256xf32>
    %get3A_2 = arith.constant 0 : index
    %get3A_3 = arith.constant 0 : index
    %get3A_4 = vector.load %arg2[%get3A_2, %get3A_3] : memref<256x128xf32, #tpu.memory_space<vmem>>, vector<256x128xf32>
    %dot_general3A = arith.constant dense<0.000000e+00> : vector<4096x128xf32>
    %dot_general3A_5 = tpu.matmul %get3A_1, %get3A_4, %dot_general3A {dimension_numbers = #tpu.dot_dimension_numbers<[1], [0], [0], [1], [0, 0, 1, 1], [], []>, transpose_lhs_hint = false} : vector<4096x256xf32>, vector<256x128xf32>, vector<4096x128xf32> -> vector<4096x128xf32>
    %get3A_6 = arith.constant 0 : index
    %get3A_7 = vector.load %arg3[%get3A_6] : memref<128xf32, #tpu.memory_space<vmem>>, vector<128xf32>
    %reshape3A = vector.shape_cast %get3A_7 : vector<128xf32> to vector<1x128xf32>
    %add3A = vector.broadcast %reshape3A : vector<1x128xf32> to vector<4096x128xf32>
    %add3A_8 = arith.addf %dot_general3A_5, %add3A : vector<4096x128xf32>
    %max3A = arith.constant 0.000000e+00 : f32
    %max3A_9 = vector.broadcast %max3A : f32 to vector<4096x128xf32>
    %max3A_10 = arith.maximumf %add3A_8, %max3A_9 : vector<4096x128xf32>
    %get3A_11 = arith.constant 0 : index
    %get3A_12 = arith.constant 0 : index
    %get3A_13 = vector.load %arg4[%get3A_11, %get3A_12] : memref<128x64xf32, #tpu.memory_space<vmem>>, vector<128x64xf32>
    %dot_general3A_14 = arith.constant dense<0.000000e+00> : vector<4096x64xf32>
    %dot_general3A_15 = tpu.matmul %max3A_10, %get3A_13, %dot_general3A_14 {dimension_numbers = #tpu.dot_dimension_numbers<[1], [0], [0], [1], [0, 0, 1, 1], [], []>, transpose_lhs_hint = false} : vector<4096x128xf32>, vector<128x64xf32>, vector<4096x64xf32> -> vector<4096x64xf32>
    %get3A_16 = arith.constant 0 : index
    %get3A_17 = vector.load %arg5[%get3A_16] : memref<64xf32, #tpu.memory_space<vmem>>, vector<64xf32>
    %reshape3A_18 = vector.shape_cast %get3A_17 : vector<64xf32> to vector<1x64xf32>
    %add3A_19 = vector.broadcast %reshape3A_18 : vector<1x64xf32> to vector<4096x64xf32>
    %add3A_20 = arith.addf %dot_general3A_15, %add3A_19 : vector<4096x64xf32>
    %max3A_21 = arith.constant 0.000000e+00 : f32
    %max3A_22 = vector.broadcast %max3A_21 : f32 to vector<4096x64xf32>
    %max3A_23 = arith.maximumf %add3A_20, %max3A_22 : vector<4096x64xf32>
    %get3A_24 = arith.constant 0 : index
    %get3A_25 = arith.constant 0 : index
    %get3A_26 = vector.load %arg6[%get3A_24, %get3A_25] : memref<64x1xf32, #tpu.memory_space<vmem>>, vector<64x1xf32>
    %dot_general3A_27 = arith.constant dense<0.000000e+00> : vector<1x4096xf32>
    %dot_general3A_28 = tpu.matmul %get3A_26, %max3A_23, %dot_general3A_27 {dimension_numbers = #tpu.dot_dimension_numbers<[0], [1], [1], [0], [0, 1, 1, 0], [], []>, transpose_lhs_hint = false} : vector<64x1xf32>, vector<4096x64xf32>, vector<1x4096xf32> -> vector<1x4096xf32>
    %get3A_29 = arith.constant 0 : index
    %get3A_30 = vector.load %arg7[%get3A_29] : memref<1xf32, #tpu.memory_space<vmem>>, vector<1xf32>
    %get3A_31 = vector.extract %get3A_30[0] : f32 from vector<1xf32>
    %add3A_32 = vector.broadcast %get3A_31 : f32 to vector<1x4096xf32>
    %add3A_33 = arith.addf %dot_general3A_28, %add3A_32 : vector<1x4096xf32>
    %reshape3A_34 = vector.shape_cast %add3A_33 : vector<1x4096xf32> to vector<1x1x4096xf32>
    %swap3A = arith.constant 0 : index
    %swap3A_35 = arith.constant 0 : index
    %swap3A_36 = arith.constant 0 : index
    %swap3A_37 = vector.load %arg8[%swap3A, %swap3A_35, %swap3A_36] : memref<1x1x4096xf32, #tpu.memory_space<vmem>>, vector<1x1x4096xf32>
    tpu.vector_store %arg8[%swap3A, %swap3A_35, %swap3A_36], %reshape3A_34 {strides = array<i32>} : memref<1x1x4096xf32, #tpu.memory_space<vmem>>, vector<1x1x4096xf32>,
    return
  }
  func.func @transform_0(%arg0: i32) -> (i32, i32) {
    %c0_i32 = arith.constant 0 : i32
    %c0_i32_0 = arith.constant 0 : i32
    return %arg0, %c0_i32 : i32, i32
  }
  func.func @transform_1(%arg0: i32) -> (i32, i32) {
    %c0_i32 = arith.constant 0 : i32
    %c0_i32_0 = arith.constant 0 : i32
    %c0_i32_1 = arith.constant 0 : i32
    return %c0_i32, %c0_i32_0 : i32, i32
  }
  func.func @transform_2(%arg0: i32) -> i32 {
    %c0_i32 = arith.constant 0 : i32
    %c0_i32_0 = arith.constant 0 : i32
    return %c0_i32 : i32
  }
  func.func @transform_3(%arg0: i32) -> (i32, i32) {
    %c0_i32 = arith.constant 0 : i32
    %c0_i32_0 = arith.constant 0 : i32
    %c0_i32_1 = arith.constant 0 : i32
    return %c0_i32, %c0_i32_0 : i32, i32
  }
  func.func @transform_4(%arg0: i32) -> i32 {
    %c0_i32 = arith.constant 0 : i32
    %c0_i32_0 = arith.constant 0 : i32
    return %c0_i32 : i32
  }
  func.func @transform_5(%arg0: i32) -> (i32, i32) {
    %c0_i32 = arith.constant 0 : i32
    %c0_i32_0 = arith.constant 0 : i32
    %c0_i32_1 = arith.constant 0 : i32
    return %c0_i32, %c0_i32_0 : i32, i32
  }
  func.func @transform_6(%arg0: i32) -> i32 {
    %c0_i32 = arith.constant 0 : i32
    %c0_i32_0 = arith.constant 0 : i32
    return %c0_i32 : i32
  }
  func.func @transform_7(%arg0: i32) -> (i32, i32, i32) {
    %c0_i32 = arith.constant 0 : i32
    %c0_i32_0 = arith.constant 0 : i32
    %c0_i32_1 = arith.constant 0 : i32
    return %arg0, %c0_i32, %c0_i32_0 : i32, i32, i32
  }
}

</mosaic_0001>

<sc_bundles>
// kernel: kernel.4.cloned.1.call-start
scs
__scs_entry_jumppad:
0x0: {  	(pc) =	sbr.rel $0x88, $3  }
0x1: {  	(tag) =	ssettag $0x0;
	lr =	simm.s32 $0x1  }
0x2: {  	[smem:$0x3F97] =	sst lr;
	_ =	strace $0xD0000000  }
0x3: {  	_ = 	snop  }
0x4: {  	_ = 	snop  }
0x5: {  	_ = 	snop  }
0x6: {  	_ = 	snop  }
0x7: {  	_ = 	snop  }
__scs_overlays_trampoline_lowered:
0x8: {  	[smem:$0x3FA6] =	sst s0  }
0x9: {  	[smem:$0x3FA7] =	sst s1  }
0xa: {  	[smem:$0x3FA8] =	sst s2  }
0xb: {  	[smem:$0x3FA9] =	sst s3  }
0xc: {  	[smem:$0x3FAA] =	sst s4  }
0xd: {  	[smem:$0x3FAB] =	sst s5  }
0xe: {  	[smem:$0x3FAC] =	sst s6  }
0xf: {  	[smem:$0x3FAD] =	sst s7  }
0x10: {  	[smem:$0x3FAE] =	sst s8  }
0x11: {  	[smem:$0x3FAF] =	sst s9;
	s0 =	simm.s32 @!p0 $0x0  }
0x12: {  	s1 =	sld [smem:$0x3F95];
	s0 =	simm.s32 @p0 $0x1  }
0x13: {  	[smem:$0x3FB0] =	sst s0;
	s0 =	simm.s32 @!p1 $0x0  }
0x14: {  	s2 =	sld [smem:$0x3F94];
	s0 =	simm.s32 @p1 $0x1  }
0x15: {  	[smem:$0x3FB1] =	sst s0;
	s0 =	simm.s32 @!p2 $0x0  }
0x16: {  	s3 =	sld [smem:$0x3FDB];
	s0 =	simm.s32 @p2 $0x1  }
0x17: {  	s4 =	simm.s32 $0x1BF5;
	[smem:$0x3FB3] =	sst s0  }
0x18: {  	s0 =	sld [smem:$0x3F96];
	_ =	swait.ge [sflag:s4], $0x0  }
0x19: {  	s7 =	sld [smem:$0x3F97]  }
0x1a: {  	s8 =	sadd.s32 $0xFFFFE003, lr  }
0x1b: {  	s9 =	sadd.s32 $0xFFFFFEF7, lr;
	s5 =	simm.s32 $0xFFFFFFFF;
	p2 =	slt.u32 s8, $0xFFFFF086  }
0x1c: {  	p1 =	slt.u32 s9, $0xF7A;
	s5 =	simm.s32 @!p2 $0x0  }
0x1d: {  	s5 =	simm.s32 @p1 $0x1;
	p0 =	seq.s32 s7, s2  }
0x1e: {  	s7 =	smul.u32 @!p0 $0xF7A, s2;
	p2 =	seq.s32 @!p0 s5, $0x0  }
0x1f: {  	s9 =	smul.u32 $0xF7A, s1;
	s8 =	simm.s32 @!p0 $0x1BF5;
	p2 =	por !p2, p0  }
0x20: {  	[sflag:s8] =	ssyncset.s32 @!p0 $0xFFFFF086;
	s6 =	sadd.s32 @!p0 s3, s7;
	s7 =	simm.s32 @!p0 $0x108  }
0x21: {  	s3 =	sadd.s32 s3, s9;
	s6 =	sadd.s32 @!p0 $0x88, s6;
	s7 =	simm.s32 @p2 $0x1082  }
0x22: {  	[simem:s7], [sflag:s8] =	dma.local @!p0 [hbm:s6], $0xF7A  }
0x23: {  	s9 =	sor.u32 $0xD0000000, s2;
	s6 =	simm.s32 $0x108;
	_ =	swait.ge @!p0 [sflag:s8], $0x0  }
0x24: {  	s3 =	sadd.s32 $0x88, s3;
	s6 =	simm.s32 @!p1 $0x1082;
	[sflag:s4] =	ssyncset.s32 $0xFFFFF086  }
0x25: {  	[simem:s6], [sflag:s4] =	dma.local [hbm:s3], $0xF7A  }
0x26: {  	[smem:$0x3F97] =	sst s1;
	(tag) =	ssettag s2;
	_ =	strace s9  }
0x27: {  	s1 =	sld [smem:$0x3FA7]  }
0x28: {  	s2 =	sld [smem:$0x3FA8]  }
0x29: {  	s4 =	sld [smem:$0x3FAA]  }
0x2a: {  	p0 =	seq.s32 s5, $0x0;
	s5 =	sld [smem:$0x3FAB]  }
0x2b: {  	s6 =	sld [smem:$0x3FAC]  }
0x2c: {  	s7 =	sld [smem:$0x3FAD]  }
0x2d: {  	s3 =	simm.s32 $0x108;
	s8 =	sld [smem:$0x3FAE]  }
0x2e: {  	s3 =	simm.s32 @!p0 $0x1082;
	s9 =	sld [smem:$0x3FAF]  }
0x2f: {  	lr =	sadd.s32 s0, s3;
	s0 =	sld [smem:$0x3FA6]  }
0x30: {  	s3 =	sld [smem:$0x3FA9]  }
0x31: {  	[smem:$0x3FB2] =	sst s10  }
0x32: {  	s10 =	sld [smem:$0x3FB0];
	_ =	sdelay $0x3  }
0x33: {  	p0 =	seq.s32 s10, $0x1;
	s10 =	sld [smem:$0x3FB2];
	_ =	sdelay $0x3  }
0x34: {  	[smem:$0x3FB2] =	sst s10  }
0x35: {  	s10 =	sld [smem:$0x3FB1];
	_ =	sdelay $0x3  }
0x36: {  	p1 =	seq.s32 s10, $0x1;
	s10 =	sld [smem:$0x3FB2];
	_ =	sdelay $0x3  }
0x37: {  	[smem:$0x3FB2] =	sst s10  }
0x38: {  	s10 =	sld [smem:$0x3FB3]  }
0x39: {  	_ = 	snop;
	(pc) =	sbr.ind lr, $3  }
0x3a: {  	_ = 	snop  }
0x3b: {  	_ = 	snop  }
0x3c: {  	p2 =	seq.s32 s10, $0x1;
	s10 =	sld [smem:$0x3FB2]  }
0x3d: {  	_ =	shalt  }
0x3e: {  	_ =	shalt  }
0x3f: {  	_ =	shalt  }
0x40: {  	_ =	shalt  }
0x41: {  	_ =	shalt  }
0x42: {  	_ =	shalt  }
0x43: {  	_ =	shalt  }
0x44: {  	_ =	shalt  }
0x45: {  	_ =	shalt  }
0x46: {  	_ =	shalt  }
0x47: {  	_ =	shalt  }
0x48: {  	_ =	shalt  }
0x49: {  	_ =	shalt  }
0x4a: {  	_ =	shalt  }
0x4b: {  	_ =	shalt  }
0x4c: {  	_ =	shalt  }
0x4d: {  	_ =	shalt  }
0x4e: {  	_ =	shalt  }
0x4f: {  	_ =	shalt  }
0x50: {  	_ =	shalt  }
0x51: {  	_ =	shalt  }
0x52: {  	_ =	shalt  }
0x53: {  	_ =	shalt  }
0x54: {  	_ =	shalt  }
0x55: {  	_ =	shalt  }
0x56: {  	_ =	shalt  }
0x57: {  	_ =	shalt  }
0x58: {  	_ =	shalt  }
0x59: {  	_ =	shalt  }
0x5a: {  	_ =	shalt  }
0x5b: {  	_ =	shalt  }
0x5c: {  	_ =	shalt  }
0x5d: {  	_ =	shalt  }
0x5e: {  	_ =	shalt  }
0x5f: {  	_ =	shalt  }
0x60: {  	_ =	shalt  }
0x61: {  	_ =	shalt  }
0x62: {  	_ =	shalt  }
0x63: {  	_ =	shalt  }
0x64: {  	_ =	shalt  }
0x65: {  	_ =	shalt  }
0x66: {  	_ =	shalt  }
0x67: {  	_ =	shalt  }
0x68: {  	_ =	shalt  }
0x69: {  	_ =	shalt  }
0x6a: {  	_ =	shalt  }
0x6b: {  	_ =	shalt  }
0x6c: {  	_ =	shalt  }
0x6d: {  	_ =	shalt  }
0x6e: {  	_ =	shalt  }
0x6f: {  	_ =	shalt  }
0x70: {  	_ =	shalt  }
0x71: {  	_ =	shalt  }
0x72: {  	_ =	shalt  }
0x73: {  	_ =	shalt  }
0x74: {  	_ =	shalt  }
0x75: {  	_ =	shalt  }
0x76: {  	_ =	shalt  }
0x77: {  	_ =	shalt  }
0x78: {  	_ =	shalt  }
0x79: {  	_ =	shalt  }
0x7a: {  	_ =	shalt  }
0x7b: {  	_ =	shalt  }
0x7c: {  	_ =	shalt  }
0x7d: {  	_ =	shalt  }
0x7e: {  	_ =	shalt  }
0x7f: {  	_ =	shalt  }
0x80: {  	_ =	shalt  }
0x81: {  	_ =	shalt  }
0x82: {  	_ =	shalt  }
0x83: {  	_ =	shalt  }
0x84: {  	_ =	shalt  }
0x85: {  	_ =	shalt  }
0x86: {  	_ =	shalt  }
0x87: {  	_ =	shalt  }
.Lfunc_end0:
.L_simem_size_0:
called_computation_lowered:
.L_overlay_start_0:
0x88: {  	s2 =	sld [smem:$0x3FD9]  }
0x89: {  	s3 =	sld [smem:$0x3FFE];
	_ =	sdelay $0x1  }
0x8a: {  	s1 =	srdreg.scid  }
0x8b: {  	s0 =	sand.u32 $0x1, s1  }
0x8c: {  	s17 =	sshll.u32 s0, $0xA;
	s2 =	sadd.s32 s3, s2  }
0x8d: {  	s2 =	sadd.s32 s2, s17  }
0x8e: {  	[smem:$0x3FBE] =	sst s2  }
0x8f: {  	_ = 	snop  }
0x90: {  	s2 =	sld [smem:$0x3FC9]  }
0x91: {  	s18 =	sld [smem:$0x3FC8]  }
0x92: {  	s4 =	sld [smem:$0x3FC7]  }
0x93: {  	s5 =	sld [smem:$0x3FC6];
	(tm) =	ssettm $0x1  }
0x94: {  	s6 =	sld [smem:$0x3FFB];
	_ =	sdelay $0x3  }
0x95: {  	_ =	strace s6  }
0x96: {  	s6 =	sld [smem:$0x3FFC];
	_ =	sdelay $0x3  }
0x97: {  	_ =	strace s6  }
0x98: {  	s6 =	sld [smem:$0x3FFD];
	_ =	sdelay $0x3  }
0x99: {  	_ =	strace s6  }
0x9a: {  	_ =	strace $0x8FFFFFFF  }
0x9b: {  	s19 =	sld [smem:$0x3FDB];
	_ =	sdelay $0x1  }
0x9c: {  	s7 =	simm.s32 $_scs_section_size  }
0x9d: {  	s8 =	simm.s32 $_size__tile_overlayer_lowered;
	s9 =	simm.s32 $_tile_overlayer_lowered  }
0x9e: {  	s22 =	simm.s32 $0x1BFF;
	s21 =	sshll.u32 s9, $0x1;
	s6 =	sadd.s32 s7, s19  }
0x9f: {  	s10 =	simm.s32 $0x0;
	s20 =	sshll.u32 s8, $0x1;
	s8 =	sadd.s32 s21, s6  }
0xa0: {  	[timem:s10], [sflag:s22] =	dma.local [hbm:s8], s20  }
0xa1: {  	_ =	swait.ge [sflag:s22], s20  }
0xa2: {  	s7 =	ssub.s32 $0x0, s20;
	[sflag:s22] =	ssyncset.done $0x0  }
0xa3: {  	[sflag:s22] =	ssyncadd.s32 s7;
	_ =	sdelay $0x1  }
0xa4: {  	s23 =	simm.s32 $0x1B8B  }
0xa5: {  	_ =	swait.ge [sflag:s23], $0x1  }
0xa6: {  	[sflag:s23] =	ssyncset.done $0x0  }
0xa7: {  	s25 =	simm.s32 $0x1B8E;
	s24 =	sld [smem:$0x3FFE];
	[sflag:s23] =	ssyncadd.s32 $0xFFFFFFFF  }
0xa8: {  	s26 =	simm.s32 $execute0_lowered;
	[smem:$0x3FD2] =	sst s25  }
0xa9: {  	s8 =	sshll.u32 s26, $0x1;
	_ =	strace $0x80000046;
	[dreg:$0x1] =	wrdreg $0xFFFFFFFF  }
0xaa: {  	s28 =	simm.s32 $_size_execute0_lowered;
	s6 =	sadd.s32 s6, s8;
	[dreg:$0x0] =	wrdreg $0x0  }
0xab: {  	s8 =	sshll.u32 s28, $0x1;
	[dreg:$0x2] =	wrdreg s6  }
0xac: {  	[dreg:$0x3] =	wrdreg s8  }
0xad: {  	[dreg:$0x4] =	wrdreg $0xC0  }
0xae: {  	_ =	task [dreg:s10], $0x5FFFF  }
0xaf: {  	[dreg:$0x1] =	wrdreg $0xFFFFFFFF  }
0xb0: {  	[dreg:$0x0] =	wrdreg $0x60  }
0xb1: {  	[dreg:$0x2] =	wrdreg s4  }
0xb2: {  	[dreg:$0x3] =	wrdreg s5  }
0xb3: {  	[dreg:$0x4] =	wrdreg s2  }
0xb4: {  	[dreg:$0x5] =	wrdreg s18  }
0xb5: {  	[dreg:$0x6] =	wrdreg s24  }
0xb6: {  	[dreg:$0x7] =	wrdreg $0x9  }
0xb7: {  	_ =	task.clear_ibuf [dreg:s10], $0x8FFFF;
	_ =	strace $0x90000046  }
0xb8: {  	s29 =	simm.s32 $0x9;
	_ =	strace $0x80000048  }
0xb9: {  	_ =	swait.ge [sflag:s29], $0x1  }
0xba: {  	[sflag:s29] =	ssyncadd.s32 $0xFFFFFFFF  }
0xbb: {  	_ =	strace $0x90000048  }
0xbc: {  	_ =	sfence  }
0xbd: {  	s30 =	sld [smem:$0x0];
	_ =	sdelay $0x2  }
0xbe: {  	s31 =	sshll.u32 s1, $0xD;
	s1 =	sshrl.u32 s1, $0x2  }
0xbf: {  	s3 =	sand.u32 $0x4000, s31;
	s1 =	sadd.s32 s1, s30  }
0xc0: {  	s0 =	sor.u32 s3, s0;
	s1 =	sshll.u32 s1, $0x11  }
0xc1: {  	s0 =	sor.u32 s1, s0  }
0xc2: {  	s0 =	sadd.s32 $0x8F2B, s0  }
0xc3: {  	[sflag:s0] =	ssyncadd.remote.s32 $0x1  }
0xc4: {  	_ =	sfence.sel $0xFFFF  }
0xc5: {  	[dreg:$0x0] =	wrdreg $0xFFFFFFFF;
	(pc) =	sbr.abs _section_cstart, $3  }
0xc6: {  	[dreg:$0x1] =	wrdreg $0xFFFFFFFF  }
0xc7: {  	_ =	task.clear_ibuf [dreg:s10], $0x2FFFF;
	_ =	strace $0x9FFFFFFF  }
0xc8: {  	(tm) =	ssettm $0x7FFFFFFF  }
0xc9: {  	_ =	shalt  }
tec
execute0_lowered:
.L_overlay_start_1:
0x0: {  	(tag) =	ssettag $0x1  }
0x1: {  	s1 =	rddreg [dreg:$0x0]  }
0x2: {  	s2 =	rddreg [dreg:$0x1]  }
0x3: {  	s5 =	rddreg [dreg:$0x2];
	s3 =	srdreg.scid  }
0x4: {  	s7 =	rddreg [dreg:$0x3];
	s0 =	stileid.u32;
	s13 =	sand.u32 $0x1, s3  }
0x5: {  	s11 =	rddreg [dreg:$0x4];
	s6 =	sshll.u32 s0, $0xA;
	s8 =	sshll.u32 s13, $0x9  }
0x6: {  	s4 =	simm.s32 $0x0;
	s3 =	rddreg [dreg:$0x5];
	s12 =	sor.u32 s8, s6  }
0x7: {  	[smem:$0x7FF] =	sst s4;
	s8 =	sshrl.u32 s12, $0x3  }
0x8: {  	_ =	strace $0x80000047;
	s6 =	sadd.s32 s5, s8;
	s5 =	simm.s32 $0x2  }
0x9: {  	[tilespmem:s4], [sflag:$0x2] =	stream.linear.gather [hbm4b:s6+s4], $0x200, $0x38;
	[tilespmem:$0x10400] =	vst v63  }
0xa: {  	_ =	swait.ge [sflag:s5], $0x200  }
0xb: {  	[sflag:s5] =	ssyncset.done $0x0  }
0xc: {  	s7 =	sadd.s32 s7, s8;
	s8 =	simm.s32 $0x200;
	[sflag:s5] =	ssyncadd.s32 $0xFFFFFE00  }
0xd: {  	[tilespmem:s8], [sflag:$0x2] =	stream.linear.gather [hbm4b:s7+s4], $0x200, $0x38;
	[tilespmem:$0x10400] =	vst v63  }
0xe: {  	_ =	swait.ge [sflag:s5], $0x200  }
0xf: {  	[sflag:s5] =	ssyncset.done $0x0  }
0x10: {  	s9 =	simm.s32 $0x400;
	s10 =	simm.s32 $0x1;
	[sflag:s5] =	ssyncadd.s32 $0xFFFFFE00  }
0x11: {  	[tilespmem:s9], [sflag:$0x1] =	stream.indirect.gather [hbm4b:s1+s8], $0x80, s4, s8, $0xb8;
	[tilespmem:$0x10400] =	vst v63  }
0x12: {  	s12 =	sshll.u32 s12, $0x5;
	_ =	swait.ge [sflag:s10], $0x10000  }
0x13: {  	s13 =	ssub.s32 $0x2, s13;
	s14 =	sadd.s32 s12, s11;
	[sflag:s10] =	ssyncset.done $0x0  }
0x14: {  	s12 =	simm.s32 $0x800;
	s11 =	sadd.s32 $0x1000, s14;
	[sflag:s10] =	ssyncadd.s32 $0xFFFF0000  }
0x15: {  	[hbm4b:s11+s9] =	stream.strided.scatter [tilespmem:s9], [sflag:$0x2], $0x10000, s12, s9, $0x38;
	[tilespmem:$0x10400] =	vst v63  }
0x16: {  	s15 =	sshrl.u32 s13, $0x1;
	_ =	swait.ge [sflag:s5], $0x10000  }
0x17: {  	s15 =	ssub.s32 s13, s15;
	[sflag:s5] =	ssyncset.done $0x0  }
0x18: {  	s31 =	smax.u32 s15, $0x1;
	[sflag:s5] =	ssyncadd.s32 $0xFFFF0000  }
0x19: {  	[tilespmem:s9], [sflag:$0x1] =	stream.indirect.gather [hbm4b:s2+s8], $0x80, s8, s8, $0xb8;
	[tilespmem:$0x10400] =	vst v63  }
0x1a: {  	p0 =	sne.s32 s31, $0x1;
	_ =	swait.ge [sflag:s10], $0x10000  }
.Ltmp0:
0x1b: {  	[sflag:s10] =	ssyncset.done $0x0;
	(pc) =	sbr.rel @!p0 .LBB2_2-.Ltmp0, $4  }
0x1c: {  	s13 =	sadd.s32 $0x1080, s14;
	[sflag:s10] =	ssyncadd.s32 $0xFFFF0000  }
0x1d: {  	[hbm4b:s13+s9] =	stream.strided.scatter [tilespmem:s9], [sflag:$0x2], $0x10000, s12, s9, $0x38;
	[tilespmem:$0x10400] =	vst v63  }
0x1e: {  	_ =	swait.ge [sflag:s5], $0x10000  }
0x1f: {  	s14 =	sadd.s32 $0xFFFFFFFF, s31;
	[sflag:s5] =	ssyncset.done $0x0  }
.LBB2_1:
0x20: {  	p0 =	sne.s32 s14, $0x1;
	s14 =	sadd.s32 $0xFFFFFFFF, s14;
	[sflag:s5] =	ssyncadd.s32 $0xFFFF0000  }
0x21: {  	[tilespmem:s4], [sflag:$0x2] =	stream.linear.gather [hbm4b:s6+s4], $0x200, $0x38;
	[tilespmem:$0x10400] =	vst v63  }
0x22: {  	_ =	swait.ge [sflag:s5], $0x200  }
0x23: {  	[sflag:s5] =	ssyncset.done $0x0  }
0x24: {  	[sflag:s5] =	ssyncadd.s32 $0xFFFFFE00  }
0x25: {  	[tilespmem:s8], [sflag:$0x2] =	stream.linear.gather [hbm4b:s7+s4], $0x200, $0x38;
	[tilespmem:$0x10400] =	vst v63  }
0x26: {  	_ =	swait.ge [sflag:s5], $0x200  }
0x27: {  	[sflag:s5] =	ssyncset.done $0x0  }
0x28: {  	[sflag:s5] =	ssyncadd.s32 $0xFFFFFE00  }
0x29: {  	[tilespmem:s9], [sflag:$0x1] =	stream.indirect.gather [hbm4b:s1+s8], $0x80, s4, s8, $0xb8;
	[tilespmem:$0x10400] =	vst v63  }
0x2a: {  	_ =	swait.ge [sflag:s10], $0x10000  }
0x2b: {  	[sflag:s10] =	ssyncset.done $0x0  }
0x2c: {  	[sflag:s10] =	ssyncadd.s32 $0xFFFF0000  }
0x2d: {  	[hbm4b:s11+s9] =	stream.strided.scatter [tilespmem:s9], [sflag:$0x2], $0x10000, s12, s9, $0x38;
	[tilespmem:$0x10400] =	vst v63  }
0x2e: {  	_ =	swait.ge [sflag:s5], $0x10000  }
0x2f: {  	[sflag:s5] =	ssyncset.done $0x0  }
0x30: {  	[sflag:s5] =	ssyncadd.s32 $0xFFFF0000  }
0x31: {  	[tilespmem:s9], [sflag:$0x1] =	stream.indirect.gather [hbm4b:s2+s8], $0x80, s8, s8, $0xb8;
	[tilespmem:$0x10400] =	vst v63  }
0x32: {  	_ =	swait.ge [sflag:s10], $0x10000  }
.Ltmp1:
0x33: {  	[sflag:s10] =	ssyncset.done $0x0;
	(pc) =	sbr.rel @p0 .LBB2_1-.Ltmp1, $4  }
0x34: {  	[sflag:s10] =	ssyncadd.s32 $0xFFFF0000  }
0x35: {  	[hbm4b:s13+s9] =	stream.strided.scatter [tilespmem:s9], [sflag:$0x2], $0x10000, s12, s9, $0x38;
	[tilespmem:$0x10400] =	vst v63  }
0x36: {  	_ =	swait.ge [sflag:s5], $0x10000  }
0x37: {  	[sflag:s5] =	ssyncset.done $0x0  }
.LBB2_2:
0x38: {  	[sflag:s5] =	ssyncadd.s32 $0xFFFF0000  }
0x39: {  	_ =	sfence.sel $0x180000  }
0x3a: {  	[bflag:$0x0] =	sbarrier.arrive $0xFFFF  }
0x3b: {  	p0 =	sne.s32 s0, $0x0;
	_ =	strace $0x90000047  }
0x3c: {  	s0 =	sadd.s32 @!p0 $0x100000, s3;
	[bflag:$0x2] =	sbarrier.arrive $0xFFFF  }
0x3d: {  	[sflag:s0] =	ssyncadd.tile.s32 @!p0 $0x1;
	_ =	shalt  }
.Lfunc_end2:
_tile_overlayer_lowered:
.L_overlay_start_2:
0x3e: {  	(tag) =	ssettag $0x2  }
0x3f: {  	s0 =	rddreg [dreg:$0x0];
	s2 =	stileid.u32  }
0x40: {  	s1 =	rddreg [dreg:$0x1];
	p0 =	sne.s32 s2, $0x0  }
0x41: {  	s3 =	rddreg [dreg:$0x2];
	[bflag:$0x3] =	sbarrier.arrive $0xFFFF;
	s2 =	simm.s32 @!p0 $0x1C02  }
0x42: {  	[timem:s3], [sflag:s2] =	dma.local @!p0 [hbm:s0], s1  }
0x43: {  	s0 =	simm.s32 @!p0 $0x2  }
0x44: {  	_ =	swait.ge @!p0 [sflag:s0], s1  }
0x45: {  	s1 =	ssub.s32 @!p0 $0x0, s1;
	[sflag:s0] =	ssyncset.done @!p0 $0x0  }
0x46: {  	[sflag:s0] =	ssyncadd.s32 @!p0 s1  }
0x47: {  	[bflag:$0x3] =	sbarrier.arrive $0xFFFF  }
0x48: {  	_ =	shalt  }

</sc_bundles>
